<compile_context>
chip_gen: v7x
topology: tpu7x:2x2x1
jax: 0.10.2.dev20260603
libtpu: 0.0.44.dev20260713+nightly
codegen_flags: <defaults>
</compile_context>

<pallas_src>
import functools

import jax
import jax.numpy as jnp
from jax import lax
from jax.experimental import pallas as pl
from jax.experimental.pallas import tpu as pltpu
from jax.experimental.pallas import tpu_sc as plsc

_BATCH = 4
_SEQ = 2048
_EMBED = 64
_FLAT = _BATCH * _SEQ

_INFO = plsc.get_sparse_core_info()
_NC = _INFO.num_cores
_NS = _INFO.num_subcores
_NW = _NC * _NS
_ROWS_W = _FLAT // _NW
_CHUNK = 128
_NCHUNK = _ROWS_W // _CHUNK
_LANES = 16


def _emb_body(tok_hbm, table_hbm, pos_hbm, out_hbm, idx_v, trow_v, prow_v,
              out_v, sem):
    wid = lax.axis_index("s") * _NC + lax.axis_index("c")
    base = wid * _ROWS_W
    pltpu.sync_copy(tok_hbm.at[pl.ds(wid * _NCHUNK, _NCHUNK)], idx_v)
    copies = [
        pltpu.async_copy(table_hbm.at[idx_v.at[j]],
                         trow_v.at[pl.ds(j * _CHUNK, _CHUNK)], sem)
        for j in range(_NCHUNK)
    ]
    pbase = lax.rem(base, _SEQ)
    pltpu.sync_copy(pos_hbm.at[pl.ds(pbase, _ROWS_W)], prow_v)
    for cp in copies:
        cp.wait()

    def body(i, carry):
        for c in range(_EMBED // _LANES):
            sl = pl.ds(c * _LANES, _LANES)
            out_v[i, sl] = trow_v[i, sl] + prow_v[i, sl]
        return carry

    lax.fori_loop(0, _ROWS_W, body, 0)
    pltpu.sync_copy(out_v, out_hbm.at[pl.ds(base, _ROWS_W)])


_emb = functools.partial(
    pl.kernel,
    mesh=plsc.VectorSubcoreMesh(core_axis_name="c", subcore_axis_name="s"),
    out_type=jax.ShapeDtypeStruct((_FLAT, _EMBED), jnp.float32),
    scratch_types=[
        pltpu.VMEM((_NCHUNK, _CHUNK), jnp.int32),
        pltpu.VMEM((_ROWS_W, _EMBED), jnp.float32),
        pltpu.VMEM((_ROWS_W, _EMBED), jnp.float32),
        pltpu.VMEM((_ROWS_W, _EMBED), jnp.float32),
        pltpu.SemaphoreType.DMA,
    ],
    compiler_params=pltpu.CompilerParams(use_tc_tiling_on_sc=False),
)(_emb_body)


def kernel(tokens, token_table, pos_table):
    tok = tokens.astype(jnp.int32).reshape(_FLAT // _CHUNK, _CHUNK)
    out = _emb(tok, token_table, pos_table)
    return out.reshape(_BATCH, _SEQ, _EMBED).astype(jnp.bfloat16)

# --- scband reference (transcript-rebuilt; emitter-appended) ---
"""Pipeline reference for scband-token-and-position-embedding-26517128085817 (READ-ONLY COPY).

The authoritative reference and input builder live on the scoring server;
editing this copy changes nothing except your own understanding.
"""

import jax, jax.numpy as jnp
import numpy as np

VOCAB = 100000
EMBED = 64
SEQ = 2048
BATCH = 4

def setup_inputs(seed: int = 0) -> dict:
    key = jax.random.key(seed)
    k_tok, k_tab, k_pos = jax.random.split(key, 3)
    tokens = jax.random.randint(k_tok, (BATCH, SEQ), 0, VOCAB, dtype=jnp.int64 if jax.config.jax_enable_x64 else jnp.int32)
    token_table = jax.random.normal(k_tab, (VOCAB, EMBED), dtype=jnp.float32) * 0.02
    pos_table = jax.random.normal(k_pos, (SEQ, EMBED), dtype=jnp.float32) * 0.02
    return {"tokens": tokens, "token_table": token_table, "pos_table": pos_table}

def reference(tokens, token_table, pos_table):
    # nnx.Embed with dtype=bfloat16: params stored float32, lookup computed in bf16
    tok_emb = jnp.take(token_table.astype(jnp.bfloat16), tokens, axis=0)
    positions = jnp.arange(tokens.shape[-1])[None]
    pos_emb = jnp.take(pos_table.astype(jnp.bfloat16), positions, axis=0)
    return tok_emb + pos_emb

if __name__ == "__main__":
    import jax
    _d = setup_inputs()
    print(jax.jit(kernel)(*tuple(_d.values())))

</pallas_src>

<mosaic_0001>
#map = affine_map<(d0, d1) -> (0, 0)>
module attributes {stable_mosaic.version = 14 : i64} {
  func.func @_emb_body(%arg0: i32, %arg1: i32, %arg2: memref<64x128xi32, #tpu.memory_space<hbm>>, %arg3: memref<100000x64xf32, #tpu.memory_space<hbm>>, %arg4: memref<2048x64xf32, #tpu.memory_space<hbm>>, %arg5: memref<8192x64xf32, #tpu.memory_space<hbm>>, %arg6: memref<2x128xi32, #tpu.memory_space<vmem>>, %arg7: memref<256x64xf32, #tpu.memory_space<vmem>>, %arg8: memref<256x64xf32, #tpu.memory_space<vmem>>, %arg9: memref<256x64xf32, #tpu.memory_space<vmem>>, %arg10: memref<!tpu.dma_semaphore, #tpu.memory_space<semaphore_mem>>) attributes {dimension_semantics = [#tpu.dimension_semantics<core_parallel>, #tpu.dimension_semantics<subcore_parallel>], iteration_bounds = array<i64: 2, 16>, scalar_prefetch = 0 : i64, scratch_operands = 5 : i64, tpu.core_type = #tpu.core_type<sc_vector_subcore>, window_params = [{transform_indices = #map}, {transform_indices = #map}, {transform_indices = #map}, {transform_indices = #map}]} {
    %mul3A = arith.constant 2 : i32
    %mul3A_0 = arith.muli %arg1, %mul3A : i32
    %add3A = arith.addi %mul3A_0, %arg0 : i32
    %mul3A_1 = arith.constant 256 : i32
    %mul3A_2 = arith.muli %add3A, %mul3A_1 : i32
    %mul3A_3 = arith.constant 2 : i32
    %mul3A_4 = arith.muli %add3A, %mul3A_3 : i32
    "tpu.region"() ({
      %run_scoped3A = tpu.sem_alloc : memref<!tpu.dma_semaphore, #tpu.memory_space<semaphore_mem>>
      %dma_start3A_49 = arith.constant 0 : i32
      %dma_start3A_50 = tpu.memref_slice %arg2[%mul3A_4, %dma_start3A_49] : memref<64x128xi32, #tpu.memory_space<hbm>> -> memref<2x128xi32, #tpu.memory_space<hbm>>
      %dma_start3A_51 = arith.constant 0 : i32
      %dma_start3A_52 = tpu.memref_slice %arg2[%mul3A_4, %dma_start3A_51] : memref<64x128xi32, #tpu.memory_space<hbm>> -> memref<2x128xi32, #tpu.memory_space<hbm>>
      tpu.enqueue_dma source(%dma_start3A_52 : memref<2x128xi32, #tpu.memory_space<hbm>>) target(%arg6 : memref<2x128xi32, #tpu.memory_space<vmem>>) target_semaphore(%run_scoped3A : memref<!tpu.dma_semaphore, #tpu.memory_space<semaphore_mem>>)
      %dma_wait3A_53 = arith.constant 0 : i32
      %dma_wait3A_54 = tpu.memref_slice %arg2[%mul3A_4, %dma_wait3A_53] : memref<64x128xi32, #tpu.memory_space<hbm>> -> memref<2x128xi32, #tpu.memory_space<hbm>>
      %dma_wait3A_55 = arith.constant 0 : i32
      %dma_wait3A_56 = tpu.memref_slice %arg2[%mul3A_4, %dma_wait3A_55] : memref<64x128xi32, #tpu.memory_space<hbm>> -> memref<2x128xi32, #tpu.memory_space<hbm>>
      tpu.wait_dma2 semaphore(%run_scoped3A : memref<!tpu.dma_semaphore, #tpu.memory_space<semaphore_mem>>) src(%dma_wait3A_56 : memref<2x128xi32, #tpu.memory_space<hbm>>) dst(%arg6 : memref<2x128xi32, #tpu.memory_space<vmem>>)
      tpu.yield
    }) : () -> ()
    %dma_start3A = arith.constant 0 : i32
    %dma_start3A_5 = arith.constant 0 : i32
    %dma_start3A_6 = arith.constant 0 : i32
    %dma_start3A_7 = tpu.memref_slice %arg7[%dma_start3A_5, %dma_start3A_6] : memref<256x64xf32, #tpu.memory_space<vmem>> -> memref<128x64xf32, #tpu.memory_space<vmem>>
    %dma_start3A_8 = arith.constant 0 : i32
    %dma_start3A_9 = tpu.memref_slice %arg6[%dma_start3A, %dma_start3A_8] : memref<2x128xi32, #tpu.memory_space<vmem>> -> memref<1x128xi32, #tpu.memory_space<vmem>>
    %dma_start3A_10 = tpu.memref_squeeze %dma_start3A_9 : memref<1x128xi32, #tpu.memory_space<vmem>> -> memref<128xi32, #tpu.memory_space<vmem>>
    %dma_start3A_11 = arith.constant 0 : i32
    %dma_start3A_12 = arith.constant 0 : i32
    %dma_start3A_13 = tpu.memref_slice %arg3[%dma_start3A_11, %dma_start3A_12] : memref<100000x64xf32, #tpu.memory_space<hbm>> -> memref<100000x64xf32, #tpu.memory_space<hbm>>
    tpu.enqueue_indirect_dma source(%dma_start3A_13 : memref<100000x64xf32, #tpu.memory_space<hbm>>) target(%dma_start3A_7 : memref<128x64xf32, #tpu.memory_space<vmem>>) offsets(%dma_start3A_10 : memref<128xi32, #tpu.memory_space<vmem>>) semaphore(%arg10 : memref<!tpu.dma_semaphore, #tpu.memory_space<semaphore_mem>>)
    %dma_start3A_14 = arith.constant 1 : i32
    %dma_start3A_15 = arith.constant 128 : i32
    %dma_start3A_16 = arith.constant 0 : i32
    %dma_start3A_17 = tpu.memref_slice %arg7[%dma_start3A_15, %dma_start3A_16] : memref<256x64xf32, #tpu.memory_space<vmem>> -> memref<128x64xf32, #tpu.memory_space<vmem>>
    %dma_start3A_18 = arith.constant 0 : i32
    %dma_start3A_19 = tpu.memref_slice %arg6[%dma_start3A_14, %dma_start3A_18] : memref<2x128xi32, #tpu.memory_space<vmem>> -> memref<1x128xi32, #tpu.memory_space<vmem>>
    %dma_start3A_20 = tpu.memref_squeeze %dma_start3A_19 : memref<1x128xi32, #tpu.memory_space<vmem>> -> memref<128xi32, #tpu.memory_space<vmem>>
    %dma_start3A_21 = arith.constant 0 : i32
    %dma_start3A_22 = arith.constant 0 : i32
    %dma_start3A_23 = tpu.memref_slice %arg3[%dma_start3A_21, %dma_start3A_22] : memref<100000x64xf32, #tpu.memory_space<hbm>> -> memref<100000x64xf32, #tpu.memory_space<hbm>>
    tpu.enqueue_indirect_dma source(%dma_start3A_23 : memref<100000x64xf32, #tpu.memory_space<hbm>>) target(%dma_start3A_17 : memref<128x64xf32, #tpu.memory_space<vmem>>) offsets(%dma_start3A_20 : memref<128xi32, #tpu.memory_space<vmem>>) semaphore(%arg10 : memref<!tpu.dma_semaphore, #tpu.memory_space<semaphore_mem>>)
    %rem3A = arith.constant 2048 : i32
    %rem3A_24 = arith.remsi %mul3A_2, %rem3A : i32
    "tpu.region"() ({
      %run_scoped3A = tpu.sem_alloc : memref<!tpu.dma_semaphore, #tpu.memory_space<semaphore_mem>>
      %dma_start3A_49 = arith.constant 0 : i32
      %dma_start3A_50 = tpu.memref_slice %arg4[%rem3A_24, %dma_start3A_49] : memref<2048x64xf32, #tpu.memory_space<hbm>> -> memref<256x64xf32, #tpu.memory_space<hbm>>
      %dma_start3A_51 = arith.constant 0 : i32
      %dma_start3A_52 = tpu.memref_slice %arg4[%rem3A_24, %dma_start3A_51] : memref<2048x64xf32, #tpu.memory_space<hbm>> -> memref<256x64xf32, #tpu.memory_space<hbm>>
      tpu.enqueue_dma source(%dma_start3A_52 : memref<256x64xf32, #tpu.memory_space<hbm>>) target(%arg8 : memref<256x64xf32, #tpu.memory_space<vmem>>) target_semaphore(%run_scoped3A : memref<!tpu.dma_semaphore, #tpu.memory_space<semaphore_mem>>)
      %dma_wait3A_53 = arith.constant 0 : i32
      %dma_wait3A_54 = tpu.memref_slice %arg4[%rem3A_24, %dma_wait3A_53] : memref<2048x64xf32, #tpu.memory_space<hbm>> -> memref<256x64xf32, #tpu.memory_space<hbm>>
      %dma_wait3A_55 = arith.constant 0 : i32
      %dma_wait3A_56 = tpu.memref_slice %arg4[%rem3A_24, %dma_wait3A_55] : memref<2048x64xf32, #tpu.memory_space<hbm>> -> memref<256x64xf32, #tpu.memory_space<hbm>>
      tpu.wait_dma2 semaphore(%run_scoped3A : memref<!tpu.dma_semaphore, #tpu.memory_space<semaphore_mem>>) src(%dma_wait3A_56 : memref<256x64xf32, #tpu.memory_space<hbm>>) dst(%arg8 : memref<256x64xf32, #tpu.memory_space<vmem>>)
      tpu.yield
    }) : () -> ()
    %dma_wait3A = arith.constant 0 : i32
    %dma_wait3A_25 = arith.constant 0 : i32
    %dma_wait3A_26 = arith.constant 0 : i32
    %dma_wait3A_27 = tpu.memref_slice %arg7[%dma_wait3A_25, %dma_wait3A_26] : memref<256x64xf32, #tpu.memory_space<vmem>> -> memref<128x64xf32, #tpu.memory_space<vmem>>
    %dma_wait3A_28 = arith.constant 0 : i32
    %dma_wait3A_29 = tpu.memref_slice %arg6[%dma_wait3A, %dma_wait3A_28] : memref<2x128xi32, #tpu.memory_space<vmem>> -> memref<1x128xi32, #tpu.memory_space<vmem>>
    %dma_wait3A_30 = tpu.memref_squeeze %dma_wait3A_29 : memref<1x128xi32, #tpu.memory_space<vmem>> -> memref<128xi32, #tpu.memory_space<vmem>>
    %dma_wait3A_31 = arith.constant 0 : i32
    %dma_wait3A_32 = arith.constant 0 : i32
    %dma_wait3A_33 = tpu.memref_slice %arg3[%dma_wait3A_31, %dma_wait3A_32] : memref<100000x64xf32, #tpu.memory_space<hbm>> -> memref<100000x64xf32, #tpu.memory_space<hbm>>
    tpu.wait_indirect_dma semaphore(%arg10 : memref<!tpu.dma_semaphore, #tpu.memory_space<semaphore_mem>>) src(%dma_wait3A_33 : memref<100000x64xf32, #tpu.memory_space<hbm>>) dst(%dma_wait3A_27 : memref<128x64xf32, #tpu.memory_space<vmem>>)
    %dma_wait3A_34 = arith.constant 1 : i32
    %dma_wait3A_35 = arith.constant 128 : i32
    %dma_wait3A_36 = arith.constant 0 : i32
    %dma_wait3A_37 = tpu.memref_slice %arg7[%dma_wait3A_35, %dma_wait3A_36] : memref<256x64xf32, #tpu.memory_space<vmem>> -> memref<128x64xf32, #tpu.memory_space<vmem>>
    %dma_wait3A_38 = arith.constant 0 : i32
    %dma_wait3A_39 = tpu.memref_slice %arg6[%dma_wait3A_34, %dma_wait3A_38] : memref<2x128xi32, #tpu.memory_space<vmem>> -> memref<1x128xi32, #tpu.memory_space<vmem>>
    %dma_wait3A_40 = tpu.memref_squeeze %dma_wait3A_39 : memref<1x128xi32, #tpu.memory_space<vmem>> -> memref<128xi32, #tpu.memory_space<vmem>>
    %dma_wait3A_41 = arith.constant 0 : i32
    %dma_wait3A_42 = arith.constant 0 : i32
    %dma_wait3A_43 = tpu.memref_slice %arg3[%dma_wait3A_41, %dma_wait3A_42] : memref<100000x64xf32, #tpu.memory_space<hbm>> -> memref<100000x64xf32, #tpu.memory_space<hbm>>
    tpu.wait_indirect_dma semaphore(%arg10 : memref<!tpu.dma_semaphore, #tpu.memory_space<semaphore_mem>>) src(%dma_wait3A_43 : memref<100000x64xf32, #tpu.memory_space<hbm>>) dst(%dma_wait3A_37 : memref<128x64xf32, #tpu.memory_space<vmem>>)
    %scan3A = arith.constant 0 : i32
    %scan3A_44 = arith.constant 0 : i32
    %scan3A_45 = arith.constant 256 : i32
    %scan3A_46 = arith.addi %scan3A_44, %scan3A_45 : i32
    %scan3A_47 = arith.constant 1 : i32
    scf.for %scan3A_49 = %scan3A_44 to %scan3A_46 step %scan3A_47  : i32 {
      %get3A = arith.index_cast %scan3A_49 : i32 to index
      %get3A_50 = arith.constant 0 : index
      %get3A_51 = tpu.vector_load %arg7[%get3A, %get3A_50] {strides = array<i32>} : memref<256x64xf32, #tpu.memory_space<vmem>>, vector<1x16xf32>,
      %get3A_52 = vector.shape_cast %get3A_51 : vector<1x16xf32> to vector<16xf32>
      %get3A_53 = arith.index_cast %scan3A_49 : i32 to index
      %get3A_54 = arith.constant 0 : index
      %get3A_55 = tpu.vector_load %arg8[%get3A_53, %get3A_54] {strides = array<i32>} : memref<256x64xf32, #tpu.memory_space<vmem>>, vector<1x16xf32>,
      %get3A_56 = vector.shape_cast %get3A_55 : vector<1x16xf32> to vector<16xf32>
      %add3A_57 = arith.addf %get3A_52, %get3A_56 : vector<16xf32>
      %swap3A = arith.index_cast %scan3A_49 : i32 to index
      %swap3A_58 = arith.constant 0 : index
      %swap3A_59 = tpu.vector_load %arg9[%swap3A, %swap3A_58] {strides = array<i32>} : memref<256x64xf32, #tpu.memory_space<vmem>>, vector<1x16xf32>,
      %swap3A_60 = vector.shape_cast %swap3A_59 : vector<1x16xf32> to vector<16xf32>
      %swap3A_61 = vector.shape_cast %add3A_57 : vector<16xf32> to vector<1x16xf32>
      tpu.vector_store %arg9[%swap3A, %swap3A_58], %swap3A_61 {strides = array<i32>} : memref<256x64xf32, #tpu.memory_space<vmem>>, vector<1x16xf32>,
      %get3A_62 = arith.index_cast %scan3A_49 : i32 to index
      %get3A_63 = arith.constant 16 : index
      %get3A_64 = tpu.vector_load %arg7[%get3A_62, %get3A_63] {strides = array<i32>} : memref<256x64xf32, #tpu.memory_space<vmem>>, vector<1x16xf32>,
      %get3A_65 = vector.shape_cast %get3A_64 : vector<1x16xf32> to vector<16xf32>
      %get3A_66 = arith.index_cast %scan3A_49 : i32 to index
      %get3A_67 = arith.constant 16 : index
      %get3A_68 = tpu.vector_load %arg8[%get3A_66, %get3A_67] {strides = array<i32>} : memref<256x64xf32, #tpu.memory_space<vmem>>, vector<1x16xf32>,
      %get3A_69 = vector.shape_cast %get3A_68 : vector<1x16xf32> to vector<16xf32>
      %add3A_70 = arith.addf %get3A_65, %get3A_69 : vector<16xf32>
      %swap3A_71 = arith.index_cast %scan3A_49 : i32 to index
      %swap3A_72 = arith.constant 16 : index
      %swap3A_73 = tpu.vector_load %arg9[%swap3A_71, %swap3A_72] {strides = array<i32>} : memref<256x64xf32, #tpu.memory_space<vmem>>, vector<1x16xf32>,
      %swap3A_74 = vector.shape_cast %swap3A_73 : vector<1x16xf32> to vector<16xf32>
      %swap3A_75 = vector.shape_cast %add3A_70 : vector<16xf32> to vector<1x16xf32>
      tpu.vector_store %arg9[%swap3A_71, %swap3A_72], %swap3A_75 {strides = array<i32>} : memref<256x64xf32, #tpu.memory_space<vmem>>, vector<1x16xf32>,
      %get3A_76 = arith.index_cast %scan3A_49 : i32 to index
      %get3A_77 = arith.constant 32 : index
      %get3A_78 = tpu.vector_load %arg7[%get3A_76, %get3A_77] {strides = array<i32>} : memref<256x64xf32, #tpu.memory_space<vmem>>, vector<1x16xf32>,
      %get3A_79 = vector.shape_cast %get3A_78 : vector<1x16xf32> to vector<16xf32>
      %get3A_80 = arith.index_cast %scan3A_49 : i32 to index
      %get3A_81 = arith.constant 32 : index
      %get3A_82 = tpu.vector_load %arg8[%get3A_80, %get3A_81] {strides = array<i32>} : memref<256x64xf32, #tpu.memory_space<vmem>>, vector<1x16xf32>,
      %get3A_83 = vector.shape_cast %get3A_82 : vector<1x16xf32> to vector<16xf32>
      %add3A_84 = arith.addf %get3A_79, %get3A_83 : vector<16xf32>
      %swap3A_85 = arith.index_cast %scan3A_49 : i32 to index
      %swap3A_86 = arith.constant 32 : index
      %swap3A_87 = tpu.vector_load %arg9[%swap3A_85, %swap3A_86] {strides = array<i32>} : memref<256x64xf32, #tpu.memory_space<vmem>>, vector<1x16xf32>,
      %swap3A_88 = vector.shape_cast %swap3A_87 : vector<1x16xf32> to vector<16xf32>
      %swap3A_89 = vector.shape_cast %add3A_84 : vector<16xf32> to vector<1x16xf32>
      tpu.vector_store %arg9[%swap3A_85, %swap3A_86], %swap3A_89 {strides = array<i32>} : memref<256x64xf32, #tpu.memory_space<vmem>>, vector<1x16xf32>,
      %get3A_90 = arith.index_cast %scan3A_49 : i32 to index
      %get3A_91 = arith.constant 48 : index
      %get3A_92 = tpu.vector_load %arg7[%get3A_90, %get3A_91] {strides = array<i32>} : memref<256x64xf32, #tpu.memory_space<vmem>>, vector<1x16xf32>,
      %get3A_93 = vector.shape_cast %get3A_92 : vector<1x16xf32> to vector<16xf32>
      %get3A_94 = arith.index_cast %scan3A_49 : i32 to index
      %get3A_95 = arith.constant 48 : index
      %get3A_96 = tpu.vector_load %arg8[%get3A_94, %get3A_95] {strides = array<i32>} : memref<256x64xf32, #tpu.memory_space<vmem>>, vector<1x16xf32>,
      %get3A_97 = vector.shape_cast %get3A_96 : vector<1x16xf32> to vector<16xf32>
      %add3A_98 = arith.addf %get3A_93, %get3A_97 : vector<16xf32>
      %swap3A_99 = arith.index_cast %scan3A_49 : i32 to index
      %swap3A_100 = arith.constant 48 : index
      %swap3A_101 = tpu.vector_load %arg9[%swap3A_99, %swap3A_100] {strides = array<i32>} : memref<256x64xf32, #tpu.memory_space<vmem>>, vector<1x16xf32>,
      %swap3A_102 = vector.shape_cast %swap3A_101 : vector<1x16xf32> to vector<16xf32>
      %swap3A_103 = vector.shape_cast %add3A_98 : vector<16xf32> to vector<1x16xf32>
      tpu.vector_store %arg9[%swap3A_99, %swap3A_100], %swap3A_103 {strides = array<i32>} : memref<256x64xf32, #tpu.memory_space<vmem>>, vector<1x16xf32>,
    }
    %scan3A_48 = arith.constant 256 : i32
    "tpu.region"() ({
      %run_scoped3A = tpu.sem_alloc : memref<!tpu.dma_semaphore, #tpu.memory_space<semaphore_mem>>
      %dma_start3A_49 = arith.constant 0 : i32
      %dma_start3A_50 = tpu.memref_slice %arg5[%mul3A_2, %dma_start3A_49] : memref<8192x64xf32, #tpu.memory_space<hbm>> -> memref<256x64xf32, #tpu.memory_space<hbm>>
      %dma_start3A_51 = arith.constant 0 : i32
      %dma_start3A_52 = tpu.memref_slice %arg5[%mul3A_2, %dma_start3A_51] : memref<8192x64xf32, #tpu.memory_space<hbm>> -> memref<256x64xf32, #tpu.memory_space<hbm>>
      tpu.enqueue_dma source(%arg9 : memref<256x64xf32, #tpu.memory_space<vmem>>) target(%dma_start3A_52 : memref<256x64xf32, #tpu.memory_space<hbm>>) target_semaphore(%run_scoped3A : memref<!tpu.dma_semaphore, #tpu.memory_space<semaphore_mem>>)
      %dma_wait3A_53 = arith.constant 0 : i32
      %dma_wait3A_54 = tpu.memref_slice %arg5[%mul3A_2, %dma_wait3A_53] : memref<8192x64xf32, #tpu.memory_space<hbm>> -> memref<256x64xf32, #tpu.memory_space<hbm>>
      %dma_wait3A_55 = arith.constant 0 : i32
      %dma_wait3A_56 = tpu.memref_slice %arg5[%mul3A_2, %dma_wait3A_55] : memref<8192x64xf32, #tpu.memory_space<hbm>> -> memref<256x64xf32, #tpu.memory_space<hbm>>
      tpu.wait_dma2 semaphore(%run_scoped3A : memref<!tpu.dma_semaphore, #tpu.memory_space<semaphore_mem>>) src(%arg9 : memref<256x64xf32, #tpu.memory_space<vmem>>) dst(%dma_wait3A_56 : memref<256x64xf32, #tpu.memory_space<hbm>>)
      tpu.yield
    }) : () -> ()
    return
  }
}

</mosaic_0001>

<sc_bundles>
// kernel: kernel.3.cloned.1.call-start
scs
__scs_entry_jumppad:
0x0: {  	(pc) =	sbr.rel $0x88, $3  }
0x1: {  	(tag) =	ssettag $0x0;
	lr =	simm.s32 $0x1  }
0x2: {  	[smem:$0x3F9E] =	sst lr;
	_ =	strace $0xD0000000  }
0x3: {  	_ = 	snop  }
0x4: {  	_ = 	snop  }
0x5: {  	_ = 	snop  }
0x6: {  	_ = 	snop  }
0x7: {  	_ = 	snop  }
__scs_overlays_trampoline_lowered:
0x8: {  	[smem:$0x3FAD] =	sst s0  }
0x9: {  	[smem:$0x3FAE] =	sst s1  }
0xa: {  	[smem:$0x3FAF] =	sst s2  }
0xb: {  	[smem:$0x3FB0] =	sst s3  }
0xc: {  	[smem:$0x3FB1] =	sst s4  }
0xd: {  	[smem:$0x3FB2] =	sst s5  }
0xe: {  	[smem:$0x3FB3] =	sst s6  }
0xf: {  	[smem:$0x3FB4] =	sst s7  }
0x10: {  	[smem:$0x3FB5] =	sst s8  }
0x11: {  	[smem:$0x3FB6] =	sst s9;
	s0 =	simm.s32 @!p0 $0x0  }
0x12: {  	s1 =	sld [smem:$0x3F9C];
	s0 =	simm.s32 @p0 $0x1  }
0x13: {  	[smem:$0x3FB7] =	sst s0;
	s0 =	simm.s32 @!p1 $0x0  }
0x14: {  	s2 =	sld [smem:$0x3F9B];
	s0 =	simm.s32 @p1 $0x1  }
0x15: {  	[smem:$0x3FB8] =	sst s0;
	s0 =	simm.s32 @!p2 $0x0  }
0x16: {  	s3 =	sld [smem:$0x3FDB];
	s0 =	simm.s32 @p2 $0x1  }
0x17: {  	s4 =	simm.s32 $0x1BF5;
	[smem:$0x3FBA] =	sst s0  }
0x18: {  	s0 =	sld [smem:$0x3F9D];
	_ =	swait.ge [sflag:s4], $0x0  }
0x19: {  	s7 =	sld [smem:$0x3F9E]  }
0x1a: {  	s8 =	sadd.s32 $0xFFFFE003, lr  }
0x1b: {  	s9 =	sadd.s32 $0xFFFFFEF7, lr;
	s5 =	simm.s32 $0xFFFFFFFF;
	p2 =	slt.u32 s8, $0xFFFFF086  }
0x1c: {  	p1 =	slt.u32 s9, $0xF7A;
	s5 =	simm.s32 @!p2 $0x0  }
0x1d: {  	s5 =	simm.s32 @p1 $0x1;
	p0 =	seq.s32 s7, s2  }
0x1e: {  	s7 =	smul.u32 @!p0 $0xF7A, s2;
	p2 =	seq.s32 @!p0 s5, $0x0  }
0x1f: {  	s9 =	smul.u32 $0xF7A, s1;
	s8 =	simm.s32 @!p0 $0x1BF5;
	p2 =	por !p2, p0  }
0x20: {  	[sflag:s8] =	ssyncset.s32 @!p0 $0xFFFFF086;
	s6 =	sadd.s32 @!p0 s3, s7;
	s7 =	simm.s32 @!p0 $0x108  }
0x21: {  	s3 =	sadd.s32 s3, s9;
	s6 =	sadd.s32 @!p0 $0x88, s6;
	s7 =	simm.s32 @p2 $0x1082  }
0x22: {  	[simem:s7], [sflag:s8] =	dma.local @!p0 [hbm:s6], $0xF7A  }
0x23: {  	s9 =	sor.u32 $0xD0000000, s2;
	s6 =	simm.s32 $0x108;
	_ =	swait.ge @!p0 [sflag:s8], $0x0  }
0x24: {  	s3 =	sadd.s32 $0x88, s3;
	s6 =	simm.s32 @!p1 $0x1082;
	[sflag:s4] =	ssyncset.s32 $0xFFFFF086  }
0x25: {  	[simem:s6], [sflag:s4] =	dma.local [hbm:s3], $0xF7A  }
0x26: {  	[smem:$0x3F9E] =	sst s1;
	(tag) =	ssettag s2;
	_ =	strace s9  }
0x27: {  	s1 =	sld [smem:$0x3FAE]  }
0x28: {  	s2 =	sld [smem:$0x3FAF]  }
0x29: {  	s4 =	sld [smem:$0x3FB1]  }
0x2a: {  	p0 =	seq.s32 s5, $0x0;
	s5 =	sld [smem:$0x3FB2]  }
0x2b: {  	s6 =	sld [smem:$0x3FB3]  }
0x2c: {  	s7 =	sld [smem:$0x3FB4]  }
0x2d: {  	s3 =	simm.s32 $0x108;
	s8 =	sld [smem:$0x3FB5]  }
0x2e: {  	s3 =	simm.s32 @!p0 $0x1082;
	s9 =	sld [smem:$0x3FB6]  }
0x2f: {  	lr =	sadd.s32 s0, s3;
	s0 =	sld [smem:$0x3FAD]  }
0x30: {  	s3 =	sld [smem:$0x3FB0]  }
0x31: {  	[smem:$0x3FB9] =	sst s10  }
0x32: {  	s10 =	sld [smem:$0x3FB7];
	_ =	sdelay $0x3  }
0x33: {  	p0 =	seq.s32 s10, $0x1;
	s10 =	sld [smem:$0x3FB9];
	_ =	sdelay $0x3  }
0x34: {  	[smem:$0x3FB9] =	sst s10  }
0x35: {  	s10 =	sld [smem:$0x3FB8];
	_ =	sdelay $0x3  }
0x36: {  	p1 =	seq.s32 s10, $0x1;
	s10 =	sld [smem:$0x3FB9];
	_ =	sdelay $0x3  }
0x37: {  	[smem:$0x3FB9] =	sst s10  }
0x38: {  	s10 =	sld [smem:$0x3FBA]  }
0x39: {  	_ = 	snop;
	(pc) =	sbr.ind lr, $3  }
0x3a: {  	_ = 	snop  }
0x3b: {  	_ = 	snop  }
0x3c: {  	p2 =	seq.s32 s10, $0x1;
	s10 =	sld [smem:$0x3FB9]  }
0x3d: {  	_ =	shalt  }
0x3e: {  	_ =	shalt  }
0x3f: {  	_ =	shalt  }
0x40: {  	_ =	shalt  }
0x41: {  	_ =	shalt  }
0x42: {  	_ =	shalt  }
0x43: {  	_ =	shalt  }
0x44: {  	_ =	shalt  }
0x45: {  	_ =	shalt  }
0x46: {  	_ =	shalt  }
0x47: {  	_ =	shalt  }
0x48: {  	_ =	shalt  }
0x49: {  	_ =	shalt  }
0x4a: {  	_ =	shalt  }
0x4b: {  	_ =	shalt  }
0x4c: {  	_ =	shalt  }
0x4d: {  	_ =	shalt  }
0x4e: {  	_ =	shalt  }
0x4f: {  	_ =	shalt  }
0x50: {  	_ =	shalt  }
0x51: {  	_ =	shalt  }
0x52: {  	_ =	shalt  }
0x53: {  	_ =	shalt  }
0x54: {  	_ =	shalt  }
0x55: {  	_ =	shalt  }
0x56: {  	_ =	shalt  }
0x57: {  	_ =	shalt  }
0x58: {  	_ =	shalt  }
0x59: {  	_ =	shalt  }
0x5a: {  	_ =	shalt  }
0x5b: {  	_ =	shalt  }
0x5c: {  	_ =	shalt  }
0x5d: {  	_ =	shalt  }
0x5e: {  	_ =	shalt  }
0x5f: {  	_ =	shalt  }
0x60: {  	_ =	shalt  }
0x61: {  	_ =	shalt  }
0x62: {  	_ =	shalt  }
0x63: {  	_ =	shalt  }
0x64: {  	_ =	shalt  }
0x65: {  	_ =	shalt  }
0x66: {  	_ =	shalt  }
0x67: {  	_ =	shalt  }
0x68: {  	_ =	shalt  }
0x69: {  	_ =	shalt  }
0x6a: {  	_ =	shalt  }
0x6b: {  	_ =	shalt  }
0x6c: {  	_ =	shalt  }
0x6d: {  	_ =	shalt  }
0x6e: {  	_ =	shalt  }
0x6f: {  	_ =	shalt  }
0x70: {  	_ =	shalt  }
0x71: {  	_ =	shalt  }
0x72: {  	_ =	shalt  }
0x73: {  	_ =	shalt  }
0x74: {  	_ =	shalt  }
0x75: {  	_ =	shalt  }
0x76: {  	_ =	shalt  }
0x77: {  	_ =	shalt  }
0x78: {  	_ =	shalt  }
0x79: {  	_ =	shalt  }
0x7a: {  	_ =	shalt  }
0x7b: {  	_ =	shalt  }
0x7c: {  	_ =	shalt  }
0x7d: {  	_ =	shalt  }
0x7e: {  	_ =	shalt  }
0x7f: {  	_ =	shalt  }
0x80: {  	_ =	shalt  }
0x81: {  	_ =	shalt  }
0x82: {  	_ =	shalt  }
0x83: {  	_ =	shalt  }
0x84: {  	_ =	shalt  }
0x85: {  	_ =	shalt  }
0x86: {  	_ =	shalt  }
0x87: {  	_ =	shalt  }
.Lfunc_end0:
.L_simem_size_0:
called_computation_lowered:
.L_overlay_start_0:
0x88: {  	s2 =	sld [smem:$0x3FD9]  }
0x89: {  	s3 =	sld [smem:$0x3FFE];
	_ =	sdelay $0x1  }
0x8a: {  	s1 =	srdreg.scid  }
0x8b: {  	s0 =	sand.u32 $0x1, s1  }
0x8c: {  	s17 =	sshll.u32 s0, $0xA;
	s2 =	sadd.s32 s3, s2  }
0x8d: {  	s2 =	sadd.s32 s2, s17  }
0x8e: {  	[smem:$0x3FC5] =	sst s2  }
0x8f: {  	_ = 	snop  }
0x90: {  	s2 =	sld [smem:$0x3FD0];
	(tm) =	ssettm $0x1  }
0x91: {  	s18 =	sld [smem:$0x3FFB];
	_ =	sdelay $0x3  }
0x92: {  	_ =	strace s18  }
0x93: {  	s3 =	sld [smem:$0x3FFC];
	_ =	sdelay $0x3  }
0x94: {  	_ =	strace s3  }
0x95: {  	s3 =	sld [smem:$0x3FFD];
	_ =	sdelay $0x3  }
0x96: {  	_ =	strace s3  }
0x97: {  	_ =	strace $0x8FFFFFFF  }
0x98: {  	s19 =	sld [smem:$0x3FDB];
	_ =	sdelay $0x1  }
0x99: {  	s4 =	simm.s32 $_scs_section_size  }
0x9a: {  	s5 =	simm.s32 $_size__tile_overlayer_lowered;
	s6 =	simm.s32 $_tile_overlayer_lowered  }
0x9b: {  	s22 =	simm.s32 $0x1BFF;
	s21 =	sshll.u32 s6, $0x1;
	s3 =	sadd.s32 s4, s19  }
0x9c: {  	s7 =	simm.s32 $0x0;
	s20 =	sshll.u32 s5, $0x1;
	s5 =	sadd.s32 s21, s3  }
0x9d: {  	[timem:s7], [sflag:s22] =	dma.local [hbm:s5], s20  }
0x9e: {  	_ =	swait.ge [sflag:s22], s20  }
0x9f: {  	s4 =	ssub.s32 $0x0, s20;
	[sflag:s22] =	ssyncset.done $0x0  }
0xa0: {  	[sflag:s22] =	ssyncadd.s32 s4;
	_ =	sdelay $0x1  }
0xa1: {  	s23 =	simm.s32 $0x1B8B  }
0xa2: {  	_ =	swait.ge [sflag:s23], $0x1  }
0xa3: {  	[sflag:s23] =	ssyncset.done $0x0  }
0xa4: {  	s25 =	simm.s32 $0x1B8E;
	s24 =	sld [smem:$0x3FFE];
	[sflag:s23] =	ssyncadd.s32 $0xFFFFFFFF  }
0xa5: {  	s26 =	simm.s32 $execute0_lowered;
	[smem:$0x3FD2] =	sst s25  }
0xa6: {  	s5 =	sshll.u32 s26, $0x1;
	_ =	strace $0x80000046;
	[dreg:$0x1] =	wrdreg $0xFFFFFFFF  }
0xa7: {  	s28 =	simm.s32 $_size_execute0_lowered;
	s3 =	sadd.s32 s3, s5;
	[dreg:$0x0] =	wrdreg $0x0  }
0xa8: {  	s5 =	sshll.u32 s28, $0x1;
	[dreg:$0x2] =	wrdreg s3  }
0xa9: {  	[dreg:$0x3] =	wrdreg s5  }
0xaa: {  	[dreg:$0x4] =	wrdreg $0xC0  }
0xab: {  	_ =	task [dreg:s7], $0x5FFFF  }
0xac: {  	[dreg:$0x1] =	wrdreg $0xFFFFFFFF  }
0xad: {  	[dreg:$0x0] =	wrdreg $0x60  }
0xae: {  	[dreg:$0x2] =	wrdreg s24  }
0xaf: {  	[dreg:$0x3] =	wrdreg s2  }
0xb0: {  	[dreg:$0x4] =	wrdreg $0x9  }
0xb1: {  	_ =	task.clear_ibuf [dreg:s7], $0x5FFFF;
	_ =	strace $0x90000046  }
0xb2: {  	s29 =	simm.s32 $0x9;
	_ =	strace $0x80000048  }
0xb3: {  	_ =	swait.ge [sflag:s29], $0x1  }
0xb4: {  	[sflag:s29] =	ssyncadd.s32 $0xFFFFFFFF  }
0xb5: {  	_ =	strace $0x90000048  }
0xb6: {  	_ =	sfence  }
0xb7: {  	s30 =	sld [smem:$0x0];
	_ =	sdelay $0x2  }
0xb8: {  	s31 =	sshll.u32 s1, $0xD;
	s1 =	sshrl.u32 s1, $0x2  }
0xb9: {  	s3 =	sand.u32 $0x4000, s31;
	s1 =	sadd.s32 s1, s30  }
0xba: {  	s0 =	sor.u32 s3, s0;
	s1 =	sshll.u32 s1, $0x11  }
0xbb: {  	s0 =	sor.u32 s1, s0  }
0xbc: {  	s0 =	sadd.s32 $0x8F2B, s0  }
0xbd: {  	[sflag:s0] =	ssyncadd.remote.s32 $0x1  }
0xbe: {  	_ =	sfence.sel $0xFFFF  }
0xbf: {  	[dreg:$0x0] =	wrdreg $0xFFFFFFFF;
	(pc) =	sbr.abs _section_cstart, $3  }
0xc0: {  	[dreg:$0x1] =	wrdreg $0xFFFFFFFF  }
0xc1: {  	_ =	task.clear_ibuf [dreg:s7], $0x2FFFF;
	_ =	strace $0x9FFFFFFF  }
0xc2: {  	(tm) =	ssettm $0x7FFFFFFF  }
0xc3: {  	_ =	shalt  }
tec
execute0_lowered:
.L_overlay_start_1:
0x0: {  	(tag) =	ssettag $0x1  }
0x1: {  	s4 =	rddreg [dreg:$0x0];
	s1 =	srdreg.scid  }
0x2: {  	s0 =	stileid.u32;
	s5 =	rddreg [dreg:$0x1];
	s2 =	simm.s32 $0x0  }
0x3: {  	s11 =	simm.s32 $0x2100;
	s12 =	simm.s32 $0x4100;
	s13 =	simm.s32 $0x1  }
0x4: {  	s14 =	simm.s32 $0x8100;
	s3 =	sand.u32 $0x1, s1;
	s1 =	rddreg [dreg:$0x2]  }
0x5: {  	s15 =	simm.s32 $0x0;
	s6 =	sshll.u32 s0, $0x1;
	[smem:$0x7FF] =	sst s2  }
0x6: {  	s6 =	sor.u32 s3, s6;
	_ =	strace $0x80000047;
	s8 =	ssub.s32 $0x2, s3  }
0x7: {  	s3 =	sadd.s32 $0x187200, s4;
	s7 =	sshll.u32 s6, $0x5;
	s6 =	sshll.u32 s6, $0xB  }
0x8: {  	s9 =	sshrl.u32 s8, $0x1;
	s7 =	sadd.s32 s7, s4;
	s10 =	sadd.s32 s6, s4  }
0x9: {  	s8 =	ssub.s32 s8, s9;
	s6 =	sand.u32 $0x3800, s6;
	s9 =	simm.s32 $0x80  }
0xa: {  	s4 =	sadd.s32 $0x800, s7;
	s5 =	sadd.s32 s5, s6;
	s6 =	sadd.s32 $0xC00, s10  }
0xb: {  	s7 =	smax.u32 s8, $0x1;
	s8 =	simm.s32 $0x2;
	s10 =	simm.s32 $0x100  }
.LBB2_1:
0xc: {  	[tilespmem:s2], [sflag:$0x2] =	stream.linear.gather [hbm4b:s4+s2], $0x100, $0x38;
	[tilespmem:$0xC100] =	vst v63  }
0xd: {  	_ =	swait.ge [sflag:s8], $0x100  }
0xe: {  	[sflag:s8] =	ssyncset.done $0x0  }
0xf: {  	[sflag:s8] =	ssyncadd.s32 $0xFFFFFF00  }
0x10: {  	[tilespmem:s10], [sflag:$0x1] =	stream.indirect.gather [hbm4b:s3+s9], $0x40, s2, s9, $0xb8;
	[tilespmem:$0xC100] =	vst v63  }
0x11: {  	_ = 	snop  }
0x12: {  	[tilespmem:s11], [sflag:$0x1] =	stream.indirect.gather [hbm4b:s3+s9], $0x40, s9, s9, $0xb8;
	[tilespmem:$0xC100] =	vst v63  }
0x13: {  	_ = 	snop  }
0x14: {  	[tilespmem:s12], [sflag:$0x2] =	stream.linear.gather [hbm4b:s5+s2], $0x4000, $0x38;
	[tilespmem:$0xC100] =	vst v63  }
0x15: {  	_ =	swait.ge [sflag:s8], $0x4000  }
0x16: {  	[sflag:s8] =	ssyncset.done $0x0  }
0x17: {  	[sflag:s8] =	ssyncadd.s32 $0xFFFFC000  }
0x18: {  	_ =	swait.ge [sflag:s13], $0x2000  }
0x19: {  	[sflag:s13] =	ssyncset.done $0x0  }
0x1a: {  	[sflag:s13] =	ssyncadd.s32 $0xFFFFE000  }
0x1b: {  	_ =	swait.ge [sflag:s13], $0x2000  }
0x1c: {  	[sflag:s13] =	ssyncset.done $0x0  }
0x1d: {  	s16 =	simm.s32 $0x0;
	[sflag:s13] =	ssyncadd.s32 $0xFFFFE000  }
0x1e: {  	v2 =	vld [tilespmem:s16+$0x130]  }
0x1f: {  	v4 =	vld [tilespmem:s16+$0x4130]  }
0x20: {  	v5 =	vld [tilespmem:s16+$0x100]  }
0x21: {  	v6 =	vld [tilespmem:s16+$0x4100]  }
0x22: {  	v1 =	vld [tilespmem:s16+$0x110]  }
0x23: {  	v3 =	vld [tilespmem:s16+$0x4110]  }
0x24: {  	v0 =	vld [tilespmem:s16+$0x120];
	v7 =	vadd.f32 v4, v2  }
0x25: {  	s17 =	simm.s32 $0x40;
	v4 =	vld [tilespmem:s16+$0x4120]  }
0x26: {  	s18 =	simm.s32 $0x200;
	v2 =	vld [tilespmem:s17+$0x130];
	v5 =	vadd.f32 v6, v5;
	[tilespmem:s16+$0x8130] =	vst v7  }
.LBB2_2:
0x27: {  	p0 =	sne.s32 s18, $0xFF00;
	v6 =	vld [tilespmem:s17+$0x4130]  }
0x28: {  	v7 =	vld [tilespmem:s17+$0x100];
	[tilespmem:s16+$0x8100] =	vst v5;
	v3 =	vadd.f32 v3, v1  }
0x29: {  	v5 =	vld [tilespmem:s17+$0x4100]  }
.Ltmp0:
0x2a: {  	v1 =	vld [tilespmem:s17+$0x110];
	[tilespmem:s16+$0x8110] =	vst v3;
	v4 =	vadd.f32 v4, v0;
	(pc) =	sbr.rel @p0 .LBB2_2-.Ltmp0, $4  }
0x2b: {  	v3 =	vld [tilespmem:s17+$0x4110]  }
0x2c: {  	v0 =	vld [tilespmem:s17+$0x120];
	v6 =	vadd.f32 v6, v2;
	[tilespmem:s16+$0x8120] =	vst v4;
	s16 =	smov.u32 s17  }
0x2d: {  	s17 =	sshra.s32 s18, $0x2;
	v4 =	vld [tilespmem:s16+$0x4120]  }
0x2e: {  	s18 =	sadd.s32 $0x100, s18;
	v2 =	vld [tilespmem:s17+$0x130];
	v5 =	vadd.f32 v5, v7;
	[tilespmem:s16+$0x8130] =	vst v6  }
0x2f: {  	v6 =	vld [tilespmem:s17+$0x4130]  }
0x30: {  	v7 =	vld [tilespmem:s17+$0x100];
	[tilespmem:s16+$0x8100] =	vst v5;
	v1 =	vadd.f32 v3, v1  }
0x31: {  	v62 =	vld [tilespmem:s17+$0x4100]  }
0x32: {  	v5 =	vld [tilespmem:s17+$0x110];
	[tilespmem:s16+$0x8110] =	vst v1;
	v0 =	vadd.f32 v4, v0  }
0x33: {  	v1 =	vld [tilespmem:s17+$0x4110]  }
0x34: {  	v63 =	vld [tilespmem:s17+$0x120];
	[tilespmem:s16+$0x8120] =	vst v0  }
0x35: {  	v0 =	vld [tilespmem:s17+$0x4120];
	_ =	sdelay $0x1  }
0x36: {  	v2 =	vadd.f32 v6, v2  }
0x37: {  	v3 =	vadd.f32 v62, v7  }
0x38: {  	[tilespmem:s17+$0x8130] =	vst v2;
	v1 =	vadd.f32 v1, v5  }
0x39: {  	s15 =	sadd.s32 $0x1, s15;
	[tilespmem:s17+$0x8100] =	vst v3;
	v0 =	vadd.f32 v0, v63  }
0x3a: {  	p0 =	sne.s32 s15, s7;
	[tilespmem:s17+$0x8110] =	vst v1  }
.Ltmp1:
0x3b: {  	[tilespmem:s17+$0x8120] =	vst v0;
	(pc) =	sbr.rel @p0 .LBB2_1-.Ltmp1, $4  }
0x3c: {  	[hbm4b:s6+s2] =	stream.linear.scatter [tilespmem:s14], [sflag:$0x2], $0x4000, $0x38;
	[tilespmem:$0xC100] =	vst v63  }
0x3d: {  	_ =	swait.ge [sflag:s8], $0x4000  }
0x3e: {  	[sflag:s8] =	ssyncset.done $0x0  }
0x3f: {  	[sflag:s8] =	ssyncadd.s32 $0xFFFFC000  }
0x40: {  	_ =	sfence.sel $0x180000  }
0x41: {  	[bflag:$0x0] =	sbarrier.arrive $0xFFFF  }
0x42: {  	p0 =	sne.s32 s0, $0x0;
	_ =	strace $0x90000047  }
0x43: {  	s0 =	sadd.s32 @!p0 $0x100000, s1;
	[bflag:$0x2] =	sbarrier.arrive $0xFFFF  }
0x44: {  	[sflag:s0] =	ssyncadd.tile.s32 @!p0 $0x1;
	_ =	shalt  }
.Lfunc_end2:
_tile_overlayer_lowered:
.L_overlay_start_2:
0x45: {  	(tag) =	ssettag $0x2  }
0x46: {  	s0 =	rddreg [dreg:$0x0];
	s2 =	stileid.u32  }
0x47: {  	s1 =	rddreg [dreg:$0x1];
	p0 =	sne.s32 s2, $0x0  }
0x48: {  	s3 =	rddreg [dreg:$0x2];
	[bflag:$0x3] =	sbarrier.arrive $0xFFFF;
	s2 =	simm.s32 @!p0 $0x1C02  }
0x49: {  	[timem:s3], [sflag:s2] =	dma.local @!p0 [hbm:s0], s1  }
0x4a: {  	s0 =	simm.s32 @!p0 $0x2  }
0x4b: {  	_ =	swait.ge @!p0 [sflag:s0], s1  }
0x4c: {  	s1 =	ssub.s32 @!p0 $0x0, s1;
	[sflag:s0] =	ssyncset.done @!p0 $0x0  }
0x4d: {  	[sflag:s0] =	ssyncadd.s32 @!p0 s1  }
0x4e: {  	[bflag:$0x3] =	sbarrier.arrive $0xFFFF  }
0x4f: {  	_ =	shalt  }

</sc_bundles>
